<compile_context>
chip_gen: v7x
topology: tpu7x:2x2x1
jax: 0.10.2.dev20260603
libtpu: 0.0.44.dev20260713+nightly
codegen_flags: <defaults>
</compile_context>

<pallas_src>
import functools

import jax
import jax.numpy as jnp
from jax import lax
from jax.experimental import pallas as pl
from jax.experimental.pallas import tpu as pltpu
from jax.experimental.pallas import tpu_sc as plsc

NC, NS = 2, 16
NW = NC * NS
CH = 128
NBUF = 4


def _make_sc_gather(n_flat, d):
    n_rows = n_flat // NW
    nch = n_rows // CH

    mesh = plsc.VectorSubcoreMesh(
        core_axis_name="c", subcore_axis_name="s",
        num_cores=NC, num_subcores=NS,
    )

    @functools.partial(
        pl.kernel,
        mesh=mesh,
        compiler_params=pltpu.CompilerParams(needs_layout_passes=False),
        out_type=jax.ShapeDtypeStruct((n_flat, d), jnp.float32),
        scratch_types=[
            pltpu.VMEM((n_rows,), jnp.int32),
            *[pltpu.VMEM((CH, d), jnp.float32) for _ in range(NBUF)],
            *[pltpu.SemaphoreType.DMA for _ in range(NBUF)],
            *[pltpu.SemaphoreType.DMA for _ in range(NBUF)],
        ],
    )
    def sc_gather(idx_hbm, table_hbm, x_hbm, idx_v, *bufs_and_sems):
        bufs = bufs_and_sems[:NBUF]
        gsems = bufs_and_sems[NBUF:2 * NBUF]
        osems = bufs_and_sems[2 * NBUF:3 * NBUF]

        wid = lax.axis_index("s") * NC + lax.axis_index("c")
        base = wid * n_rows

        pltpu.sync_copy(idx_hbm.at[pl.ds(base, n_rows)], idx_v)

        def gather_src(c):
            return table_hbm.at[idx_v.at[pl.ds(c * CH, CH)]]

        def out_dst(c):
            return x_hbm.at[pl.ds(base + c * CH, CH)]

        pltpu.async_copy(gather_src(0), bufs[0], gsems[0])
        pltpu.async_copy(gather_src(1), bufs[1], gsems[1])

        def slot(c, off):
            b = (off + 2) % NBUF

            @pl.when(c >= 2)
            def _():
                pltpu.make_async_copy(bufs[b], out_dst(c - 2), osems[b]).wait()

            @pl.when(c + 2 < nch)
            def _():
                pltpu.async_copy(gather_src(c + 2), bufs[b], gsems[b])

            pltpu.make_async_copy(gather_src(c), bufs[off], gsems[off]).wait()
            pltpu.async_copy(bufs[off], out_dst(c), osems[off])

        def outer(i, _):
            for off in range(NBUF):
                slot(NBUF * i + off, off)
            return 0

        n_full = nch // NBUF
        lax.fori_loop(0, n_full, outer, 0)
        for off in range(nch - NBUF * n_full):
            slot(NBUF * n_full + off, off)

        pltpu.make_async_copy(
            bufs[(nch - 2) % NBUF], out_dst(nch - 2), osems[(nch - 2) % NBUF]
        ).wait()
        pltpu.make_async_copy(
            bufs[(nch - 1) % NBUF], out_dst(nch - 1), osems[(nch - 1) % NBUF]
        ).wait()

    return sc_gather


def _tc_ln_body(x_ref, pos_ref, g_ref, b_ref, o_ref):
    x = x_ref[...] + pos_ref[...]
    mean = jnp.mean(x, axis=1, keepdims=True)
    xc = x - mean
    var = jnp.mean(xc * xc, axis=1, keepdims=True)
    normed = xc * lax.rsqrt(var + 1e-5)
    o_ref[...] = normed * g_ref[...] + b_ref[...]


SEQ_PER_BLOCK = 16


def _tc_ln(x, pos_tiled, gamma, beta, n_seq, seq_len, d):
    rows = SEQ_PER_BLOCK * seq_len
    return pl.pallas_call(
        _tc_ln_body,
        grid=(n_seq // SEQ_PER_BLOCK,),
        in_specs=[
            pl.BlockSpec((rows, d), lambda i: (i, 0)),
            pl.BlockSpec((rows, d), lambda i: (0, 0)),
            pl.BlockSpec((1, d), lambda i: (0, 0)),
            pl.BlockSpec((1, d), lambda i: (0, 0)),
        ],
        out_specs=pl.BlockSpec((rows, d), lambda i: (i, 0)),
        out_shape=jax.ShapeDtypeStruct((n_seq * seq_len, d), jnp.float32),
        compiler_params=pltpu.CompilerParams(
            dimension_semantics=("arbitrary",),
        ),
    )(x, pos_tiled, gamma, beta)


@jax.jit
def kernel(input_ids, token_table, pos_table, ln_gamma, ln_beta):
    b, l = input_ids.shape
    _, d = token_table.shape
    ids = input_ids.reshape(b * l).astype(jnp.int32)
    x = _make_sc_gather(b * l, d)(ids, token_table)
    pos_tiled = jnp.tile(pos_table[:l], (SEQ_PER_BLOCK, 1))
    out = _tc_ln(
        x, pos_tiled, ln_gamma.reshape(1, d), ln_beta.reshape(1, d),
        b, l, d,
    )
    return out.reshape(b, l, d)

# --- scband reference (transcript-rebuilt; emitter-appended) ---
"""Pipeline reference for scband-input-embedding-16647293239550 (READ-ONLY COPY).

The authoritative reference and input builder live on the scoring server;
editing this copy changes nothing except your own understanding.
"""

import jax, jax.numpy as jnp
import numpy as np

VOCAB = 1000000
HIDDEN = 128
MAX_SEQ = 2048
B, L = 1024, 200


def setup_inputs(seed: int = 0) -> dict:
    key = jax.random.key(seed)
    k1, k2, k3 = jax.random.split(key, 3)
    input_ids = jax.random.randint(k1, (B, L), 0, VOCAB, dtype=jnp.int64 if jax.config.jax_enable_x64 else jnp.int32)
    token_table = jax.random.normal(k2, (VOCAB, HIDDEN), dtype=jnp.float32) * 0.02
    pos_table = jax.random.normal(k3, (MAX_SEQ, HIDDEN), dtype=jnp.float32) * 0.02
    ln_gamma = jnp.ones((HIDDEN,), dtype=jnp.float32)
    ln_beta = jnp.zeros((HIDDEN,), dtype=jnp.float32)
    return {
        "input_ids": input_ids,
        "token_table": token_table,
        "pos_table": pos_table,
        "ln_gamma": ln_gamma,
        "ln_beta": ln_beta,
    }


def reference(input_ids, token_table, pos_table, ln_gamma, ln_beta):
    # token embedding gather: [B, L] -> [B, L, D]
    token_embeds = jnp.take(token_table, input_ids, axis=0)
    # position embedding gather: [L] -> [L, D], broadcast over batch
    Lcur = input_ids.shape[1]
    position_ids = jnp.arange(Lcur)
    position_embeds = jnp.take(pos_table, position_ids, axis=0)[None, :, :]
    embeddings = token_embeds + position_embeds
    # LayerNorm over last dim (eps=1e-5, torch default)
    mean = jnp.mean(embeddings, axis=-1, keepdims=True)
    var = jnp.mean(jnp.square(embeddings - mean), axis=-1, keepdims=True)
    normed = (embeddings - mean) / jnp.sqrt(var + 1e-5)
    out = normed * ln_gamma + ln_beta
    # dropout is identity in eval / deterministic reference
    return out

if __name__ == "__main__":
    import jax
    _d = setup_inputs()
    print(jax.jit(kernel)(*tuple(_d.values())))

</pallas_src>

<mosaic_0001>
#map = affine_map<(d0, d1) -> (0)>
#map1 = affine_map<(d0, d1) -> (0, 0)>
module attributes {stable_mosaic.version = 14 : i64} {
  func.func @sc_gather(%arg0: i32, %arg1: i32, %arg2: memref<204800xi32, #tpu.memory_space<hbm>>, %arg3: memref<1000000x128xf32, #tpu.memory_space<hbm>>, %arg4: memref<204800x128xf32, #tpu.memory_space<hbm>>, %arg5: memref<6400xi32, #tpu.memory_space<vmem>>, %arg6: memref<128x128xf32, #tpu.memory_space<vmem>>, %arg7: memref<128x128xf32, #tpu.memory_space<vmem>>, %arg8: memref<128x128xf32, #tpu.memory_space<vmem>>, %arg9: memref<128x128xf32, #tpu.memory_space<vmem>>, %arg10: memref<!tpu.dma_semaphore, #tpu.memory_space<semaphore_mem>>, %arg11: memref<!tpu.dma_semaphore, #tpu.memory_space<semaphore_mem>>, %arg12: memref<!tpu.dma_semaphore, #tpu.memory_space<semaphore_mem>>, %arg13: memref<!tpu.dma_semaphore, #tpu.memory_space<semaphore_mem>>, %arg14: memref<!tpu.dma_semaphore, #tpu.memory_space<semaphore_mem>>, %arg15: memref<!tpu.dma_semaphore, #tpu.memory_space<semaphore_mem>>, %arg16: memref<!tpu.dma_semaphore, #tpu.memory_space<semaphore_mem>>, %arg17: memref<!tpu.dma_semaphore, #tpu.memory_space<semaphore_mem>>) attributes {dimension_semantics = [#tpu.dimension_semantics<core_parallel>, #tpu.dimension_semantics<subcore_parallel>], iteration_bounds = array<i64: 2, 16>, scalar_prefetch = 0 : i64, scratch_operands = 13 : i64, tpu.core_type = #tpu.core_type<sc_vector_subcore>, window_params = [{transform_indices = #map}, {transform_indices = #map1}, {transform_indices = #map1}]} {
    %mul3A = arith.constant 2 : i32
    %mul3A_0 = arith.muli %arg1, %mul3A : i32
    %add3A = arith.addi %mul3A_0, %arg0 : i32
    %mul3A_1 = arith.constant 6400 : i32
    %mul3A_2 = arith.muli %add3A, %mul3A_1 : i32
    "tpu.region"() ({
      %run_scoped3A = tpu.sem_alloc : memref<!tpu.dma_semaphore, #tpu.memory_space<semaphore_mem>>
      %dma_start3A_63 = tpu.memref_slice %arg2[%mul3A_2] : memref<204800xi32, #tpu.memory_space<hbm>> -> memref<6400xi32, #tpu.memory_space<hbm>>
      %dma_start3A_64 = tpu.memref_slice %arg2[%mul3A_2] : memref<204800xi32, #tpu.memory_space<hbm>> -> memref<6400xi32, #tpu.memory_space<hbm>>
      tpu.enqueue_dma source(%dma_start3A_64 : memref<6400xi32, #tpu.memory_space<hbm>>) target(%arg5 : memref<6400xi32, #tpu.memory_space<vmem>>) target_semaphore(%run_scoped3A : memref<!tpu.dma_semaphore, #tpu.memory_space<semaphore_mem>>)
      %dma_wait3A_65 = tpu.memref_slice %arg2[%mul3A_2] : memref<204800xi32, #tpu.memory_space<hbm>> -> memref<6400xi32, #tpu.memory_space<hbm>>
      %dma_wait3A_66 = tpu.memref_slice %arg2[%mul3A_2] : memref<204800xi32, #tpu.memory_space<hbm>> -> memref<6400xi32, #tpu.memory_space<hbm>>
      tpu.wait_dma2 semaphore(%run_scoped3A : memref<!tpu.dma_semaphore, #tpu.memory_space<semaphore_mem>>) src(%dma_wait3A_66 : memref<6400xi32, #tpu.memory_space<hbm>>) dst(%arg5 : memref<6400xi32, #tpu.memory_space<vmem>>)
      tpu.yield
    }) : () -> ()
    %dma_start3A = arith.constant 0 : i32
    %dma_start3A_3 = tpu.memref_slice %arg5[%dma_start3A] : memref<6400xi32, #tpu.memory_space<vmem>> -> memref<128xi32, #tpu.memory_space<vmem>>
    %dma_start3A_4 = arith.constant 0 : i32
    %dma_start3A_5 = arith.constant 0 : i32
    %dma_start3A_6 = tpu.memref_slice %arg3[%dma_start3A_4, %dma_start3A_5] : memref<1000000x128xf32, #tpu.memory_space<hbm>> -> memref<1000000x128xf32, #tpu.memory_space<hbm>>
    tpu.enqueue_indirect_dma source(%dma_start3A_6 : memref<1000000x128xf32, #tpu.memory_space<hbm>>) target(%arg6 : memref<128x128xf32, #tpu.memory_space<vmem>>) offsets(%dma_start3A_3 : memref<128xi32, #tpu.memory_space<vmem>>) semaphore(%arg10 : memref<!tpu.dma_semaphore, #tpu.memory_space<semaphore_mem>>)
    %dma_start3A_7 = arith.constant 128 : i32
    %dma_start3A_8 = tpu.memref_slice %arg5[%dma_start3A_7] : memref<6400xi32, #tpu.memory_space<vmem>> -> memref<128xi32, #tpu.memory_space<vmem>>
    %dma_start3A_9 = arith.constant 0 : i32
    %dma_start3A_10 = arith.constant 0 : i32
    %dma_start3A_11 = tpu.memref_slice %arg3[%dma_start3A_9, %dma_start3A_10] : memref<1000000x128xf32, #tpu.memory_space<hbm>> -> memref<1000000x128xf32, #tpu.memory_space<hbm>>
    tpu.enqueue_indirect_dma source(%dma_start3A_11 : memref<1000000x128xf32, #tpu.memory_space<hbm>>) target(%arg7 : memref<128x128xf32, #tpu.memory_space<vmem>>) offsets(%dma_start3A_8 : memref<128xi32, #tpu.memory_space<vmem>>) semaphore(%arg11 : memref<!tpu.dma_semaphore, #tpu.memory_space<semaphore_mem>>)
    %scan3A = arith.constant 0 : i32
    %scan3A_12 = arith.constant 0 : i32
    %scan3A_13 = arith.constant 12 : i32
    %scan3A_14 = arith.addi %scan3A_12, %scan3A_13 : i32
    %scan3A_15 = arith.constant 1 : i32
    %scan3A_16 = scf.for %scan3A_63 = %scan3A_12 to %scan3A_14 step %scan3A_15 iter_args(%scan3A_64 = %scan3A) -> (i32)  : i32 {
      %mul3A_65 = arith.constant 4 : i32
      %mul3A_66 = arith.muli %mul3A_65, %scan3A_63 : i32
      %add3A_67 = arith.constant 0 : i32
      %add3A_68 = arith.addi %mul3A_66, %add3A_67 : i32
      %ge3A = arith.constant 2 : i32
      %ge3A_69 = arith.cmpi sge, %add3A_68, %ge3A : i32
      %convert_element_type3A = arith.extui %ge3A_69 : i1 to i32
      %cond3A = arith.constant 0 : i32
      %cond3A_70 = arith.cmpi ne, %convert_element_type3A, %cond3A : i32
      scf.if %cond3A_70 {
        %sub3A = arith.constant 2 : i32
        %sub3A_178 = arith.subi %add3A_68, %sub3A : i32
        %mul3A_179 = arith.constant 128 : i32
        %mul3A_180 = arith.muli %sub3A_178, %mul3A_179 : i32
        %add3A_181 = arith.addi %mul3A_2, %mul3A_180 : i32
        %dma_wait3A_182 = arith.constant 0 : i32
        %dma_wait3A_183 = tpu.memref_slice %arg4[%add3A_181, %dma_wait3A_182] : memref<204800x128xf32, #tpu.memory_space<hbm>> -> memref<128x128xf32, #tpu.memory_space<hbm>>
        %dma_wait3A_184 = arith.constant 0 : i32
        %dma_wait3A_185 = tpu.memref_slice %arg4[%add3A_181, %dma_wait3A_184] : memref<204800x128xf32, #tpu.memory_space<hbm>> -> memref<128x128xf32, #tpu.memory_space<hbm>>
        tpu.wait_dma2 semaphore(%arg16 : memref<!tpu.dma_semaphore, #tpu.memory_space<semaphore_mem>>) src(%arg8 : memref<128x128xf32, #tpu.memory_space<vmem>>) dst(%dma_wait3A_185 : memref<128x128xf32, #tpu.memory_space<hbm>>)
      } else {
      }
      %add3A_71 = arith.constant 2 : i32
      %add3A_72 = arith.addi %add3A_68, %add3A_71 : i32
      %lt3A = arith.constant 50 : i32
      %lt3A_73 = arith.cmpi slt, %add3A_72, %lt3A : i32
      %convert_element_type3A_74 = arith.extui %lt3A_73 : i1 to i32
      %cond3A_75 = arith.constant 0 : i32
      %cond3A_76 = arith.cmpi ne, %convert_element_type3A_74, %cond3A_75 : i32
      scf.if %cond3A_76 {
        %add3A_178 = arith.constant 2 : i32
        %add3A_179 = arith.addi %add3A_68, %add3A_178 : i32
        %mul3A_180 = arith.constant 128 : i32
        %mul3A_181 = arith.muli %add3A_179, %mul3A_180 : i32
        %dma_start3A_182 = tpu.memref_slice %arg5[%mul3A_181] : memref<6400xi32, #tpu.memory_space<vmem>> -> memref<128xi32, #tpu.memory_space<vmem>>
        %dma_start3A_183 = arith.constant 0 : i32
        %dma_start3A_184 = arith.constant 0 : i32
        %dma_start3A_185 = tpu.memref_slice %arg3[%dma_start3A_183, %dma_start3A_184] : memref<1000000x128xf32, #tpu.memory_space<hbm>> -> memref<1000000x128xf32, #tpu.memory_space<hbm>>
        tpu.enqueue_indirect_dma source(%dma_start3A_185 : memref<1000000x128xf32, #tpu.memory_space<hbm>>) target(%arg8 : memref<128x128xf32, #tpu.memory_space<vmem>>) offsets(%dma_start3A_182 : memref<128xi32, #tpu.memory_space<vmem>>) semaphore(%arg12 : memref<!tpu.dma_semaphore, #tpu.memory_space<semaphore_mem>>)
      } else {
      }
      %mul3A_77 = arith.constant 128 : i32
      %mul3A_78 = arith.muli %add3A_68, %mul3A_77 : i32
      %dma_wait3A_79 = tpu.memref_slice %arg5[%mul3A_78] : memref<6400xi32, #tpu.memory_space<vmem>> -> memref<128xi32, #tpu.memory_space<vmem>>
      %dma_wait3A_80 = arith.constant 0 : i32
      %dma_wait3A_81 = arith.constant 0 : i32
      %dma_wait3A_82 = tpu.memref_slice %arg3[%dma_wait3A_80, %dma_wait3A_81] : memref<1000000x128xf32, #tpu.memory_space<hbm>> -> memref<1000000x128xf32, #tpu.memory_space<hbm>>
      tpu.wait_indirect_dma semaphore(%arg10 : memref<!tpu.dma_semaphore, #tpu.memory_space<semaphore_mem>>) src(%dma_wait3A_82 : memref<1000000x128xf32, #tpu.memory_space<hbm>>) dst(%arg6 : memref<128x128xf32, #tpu.memory_space<vmem>>)
      %mul3A_83 = arith.constant 128 : i32
      %mul3A_84 = arith.muli %add3A_68, %mul3A_83 : i32
      %add3A_85 = arith.addi %mul3A_2, %mul3A_84 : i32
      %dma_start3A_86 = arith.constant 0 : i32
      %dma_start3A_87 = tpu.memref_slice %arg4[%add3A_85, %dma_start3A_86] : memref<204800x128xf32, #tpu.memory_space<hbm>> -> memref<128x128xf32, #tpu.memory_space<hbm>>
      %dma_start3A_88 = arith.constant 0 : i32
      %dma_start3A_89 = tpu.memref_slice %arg4[%add3A_85, %dma_start3A_88] : memref<204800x128xf32, #tpu.memory_space<hbm>> -> memref<128x128xf32, #tpu.memory_space<hbm>>
      tpu.enqueue_dma source(%arg6 : memref<128x128xf32, #tpu.memory_space<vmem>>) target(%dma_start3A_89 : memref<128x128xf32, #tpu.memory_space<hbm>>) target_semaphore(%arg14 : memref<!tpu.dma_semaphore, #tpu.memory_space<semaphore_mem>>)
      %mul3A_90 = arith.constant 4 : i32
      %mul3A_91 = arith.muli %mul3A_90, %scan3A_63 : i32
      %add3A_92 = arith.constant 1 : i32
      %add3A_93 = arith.addi %mul3A_91, %add3A_92 : i32
      %ge3A_94 = arith.constant 2 : i32
      %ge3A_95 = arith.cmpi sge, %add3A_93, %ge3A_94 : i32
      %convert_element_type3A_96 = arith.extui %ge3A_95 : i1 to i32
      %cond3A_97 = arith.constant 0 : i32
      %cond3A_98 = arith.cmpi ne, %convert_element_type3A_96, %cond3A_97 : i32
      scf.if %cond3A_98 {
        %sub3A = arith.constant 2 : i32
        %sub3A_178 = arith.subi %add3A_93, %sub3A : i32
        %mul3A_179 = arith.constant 128 : i32
        %mul3A_180 = arith.muli %sub3A_178, %mul3A_179 : i32
        %add3A_181 = arith.addi %mul3A_2, %mul3A_180 : i32
        %dma_wait3A_182 = arith.constant 0 : i32
        %dma_wait3A_183 = tpu.memref_slice %arg4[%add3A_181, %dma_wait3A_182] : memref<204800x128xf32, #tpu.memory_space<hbm>> -> memref<128x128xf32, #tpu.memory_space<hbm>>
        %dma_wait3A_184 = arith.constant 0 : i32
        %dma_wait3A_185 = tpu.memref_slice %arg4[%add3A_181, %dma_wait3A_184] : memref<204800x128xf32, #tpu.memory_space<hbm>> -> memref<128x128xf32, #tpu.memory_space<hbm>>
        tpu.wait_dma2 semaphore(%arg17 : memref<!tpu.dma_semaphore, #tpu.memory_space<semaphore_mem>>) src(%arg9 : memref<128x128xf32, #tpu.memory_space<vmem>>) dst(%dma_wait3A_185 : memref<128x128xf32, #tpu.memory_space<hbm>>)
      } else {
      }
      %add3A_99 = arith.constant 2 : i32
      %add3A_100 = arith.addi %add3A_93, %add3A_99 : i32
      %lt3A_101 = arith.constant 50 : i32
      %lt3A_102 = arith.cmpi slt, %add3A_100, %lt3A_101 : i32
      %convert_element_type3A_103 = arith.extui %lt3A_102 : i1 to i32
      %cond3A_104 = arith.constant 0 : i32
      %cond3A_105 = arith.cmpi ne, %convert_element_type3A_103, %cond3A_104 : i32
      scf.if %cond3A_105 {
        %add3A_178 = arith.constant 2 : i32
        %add3A_179 = arith.addi %add3A_93, %add3A_178 : i32
        %mul3A_180 = arith.constant 128 : i32
        %mul3A_181 = arith.muli %add3A_179, %mul3A_180 : i32
        %dma_start3A_182 = tpu.memref_slice %arg5[%mul3A_181] : memref<6400xi32, #tpu.memory_space<vmem>> -> memref<128xi32, #tpu.memory_space<vmem>>
        %dma_start3A_183 = arith.constant 0 : i32
        %dma_start3A_184 = arith.constant 0 : i32
        %dma_start3A_185 = tpu.memref_slice %arg3[%dma_start3A_183, %dma_start3A_184] : memref<1000000x128xf32, #tpu.memory_space<hbm>> -> memref<1000000x128xf32, #tpu.memory_space<hbm>>
        tpu.enqueue_indirect_dma source(%dma_start3A_185 : memref<1000000x128xf32, #tpu.memory_space<hbm>>) target(%arg9 : memref<128x128xf32, #tpu.memory_space<vmem>>) offsets(%dma_start3A_182 : memref<128xi32, #tpu.memory_space<vmem>>) semaphore(%arg13 : memref<!tpu.dma_semaphore, #tpu.memory_space<semaphore_mem>>)
      } else {
      }
      %mul3A_106 = arith.constant 128 : i32
      %mul3A_107 = arith.muli %add3A_93, %mul3A_106 : i32
      %dma_wait3A_108 = tpu.memref_slice %arg5[%mul3A_107] : memref<6400xi32, #tpu.memory_space<vmem>> -> memref<128xi32, #tpu.memory_space<vmem>>
      %dma_wait3A_109 = arith.constant 0 : i32
      %dma_wait3A_110 = arith.constant 0 : i32
      %dma_wait3A_111 = tpu.memref_slice %arg3[%dma_wait3A_109, %dma_wait3A_110] : memref<1000000x128xf32, #tpu.memory_space<hbm>> -> memref<1000000x128xf32, #tpu.memory_space<hbm>>
      tpu.wait_indirect_dma semaphore(%arg11 : memref<!tpu.dma_semaphore, #tpu.memory_space<semaphore_mem>>) src(%dma_wait3A_111 : memref<1000000x128xf32, #tpu.memory_space<hbm>>) dst(%arg7 : memref<128x128xf32, #tpu.memory_space<vmem>>)
      %mul3A_112 = arith.constant 128 : i32
      %mul3A_113 = arith.muli %add3A_93, %mul3A_112 : i32
      %add3A_114 = arith.addi %mul3A_2, %mul3A_113 : i32
      %dma_start3A_115 = arith.constant 0 : i32
      %dma_start3A_116 = tpu.memref_slice %arg4[%add3A_114, %dma_start3A_115] : memref<204800x128xf32, #tpu.memory_space<hbm>> -> memref<128x128xf32, #tpu.memory_space<hbm>>
      %dma_start3A_117 = arith.constant 0 : i32
      %dma_start3A_118 = tpu.memref_slice %arg4[%add3A_114, %dma_start3A_117] : memref<204800x128xf32, #tpu.memory_space<hbm>> -> memref<128x128xf32, #tpu.memory_space<hbm>>
      tpu.enqueue_dma source(%arg7 : memref<128x128xf32, #tpu.memory_space<vmem>>) target(%dma_start3A_118 : memref<128x128xf32, #tpu.memory_space<hbm>>) target_semaphore(%arg15 : memref<!tpu.dma_semaphore, #tpu.memory_space<semaphore_mem>>)
      %mul3A_119 = arith.constant 4 : i32
      %mul3A_120 = arith.muli %mul3A_119, %scan3A_63 : i32
      %add3A_121 = arith.constant 2 : i32
      %add3A_122 = arith.addi %mul3A_120, %add3A_121 : i32
      %ge3A_123 = arith.constant 2 : i32
      %ge3A_124 = arith.cmpi sge, %add3A_122, %ge3A_123 : i32
      %convert_element_type3A_125 = arith.extui %ge3A_124 : i1 to i32
      %cond3A_126 = arith.constant 0 : i32
      %cond3A_127 = arith.cmpi ne, %convert_element_type3A_125, %cond3A_126 : i32
      scf.if %cond3A_127 {
        %sub3A = arith.constant 2 : i32
        %sub3A_178 = arith.subi %add3A_122, %sub3A : i32
        %mul3A_179 = arith.constant 128 : i32
        %mul3A_180 = arith.muli %sub3A_178, %mul3A_179 : i32
        %add3A_181 = arith.addi %mul3A_2, %mul3A_180 : i32
        %dma_wait3A_182 = arith.constant 0 : i32
        %dma_wait3A_183 = tpu.memref_slice %arg4[%add3A_181, %dma_wait3A_182] : memref<204800x128xf32, #tpu.memory_space<hbm>> -> memref<128x128xf32, #tpu.memory_space<hbm>>
        %dma_wait3A_184 = arith.constant 0 : i32
        %dma_wait3A_185 = tpu.memref_slice %arg4[%add3A_181, %dma_wait3A_184] : memref<204800x128xf32, #tpu.memory_space<hbm>> -> memref<128x128xf32, #tpu.memory_space<hbm>>
        tpu.wait_dma2 semaphore(%arg14 : memref<!tpu.dma_semaphore, #tpu.memory_space<semaphore_mem>>) src(%arg6 : memref<128x128xf32, #tpu.memory_space<vmem>>) dst(%dma_wait3A_185 : memref<128x128xf32, #tpu.memory_space<hbm>>)
      } else {
      }
      %add3A_128 = arith.constant 2 : i32
      %add3A_129 = arith.addi %add3A_122, %add3A_128 : i32
      %lt3A_130 = arith.constant 50 : i32
      %lt3A_131 = arith.cmpi slt, %add3A_129, %lt3A_130 : i32
      %convert_element_type3A_132 = arith.extui %lt3A_131 : i1 to i32
      %cond3A_133 = arith.constant 0 : i32
      %cond3A_134 = arith.cmpi ne, %convert_element_type3A_132, %cond3A_133 : i32
      scf.if %cond3A_134 {
        %add3A_178 = arith.constant 2 : i32
        %add3A_179 = arith.addi %add3A_122, %add3A_178 : i32
        %mul3A_180 = arith.constant 128 : i32
        %mul3A_181 = arith.muli %add3A_179, %mul3A_180 : i32
        %dma_start3A_182 = tpu.memref_slice %arg5[%mul3A_181] : memref<6400xi32, #tpu.memory_space<vmem>> -> memref<128xi32, #tpu.memory_space<vmem>>
        %dma_start3A_183 = arith.constant 0 : i32
        %dma_start3A_184 = arith.constant 0 : i32
        %dma_start3A_185 = tpu.memref_slice %arg3[%dma_start3A_183, %dma_start3A_184] : memref<1000000x128xf32, #tpu.memory_space<hbm>> -> memref<1000000x128xf32, #tpu.memory_space<hbm>>
        tpu.enqueue_indirect_dma source(%dma_start3A_185 : memref<1000000x128xf32, #tpu.memory_space<hbm>>) target(%arg6 : memref<128x128xf32, #tpu.memory_space<vmem>>) offsets(%dma_start3A_182 : memref<128xi32, #tpu.memory_space<vmem>>) semaphore(%arg10 : memref<!tpu.dma_semaphore, #tpu.memory_space<semaphore_mem>>)
      } else {
      }
      %mul3A_135 = arith.constant 128 : i32
      %mul3A_136 = arith.muli %add3A_122, %mul3A_135 : i32
      %dma_wait3A_137 = tpu.memref_slice %arg5[%mul3A_136] : memref<6400xi32, #tpu.memory_space<vmem>> -> memref<128xi32, #tpu.memory_space<vmem>>
      %dma_wait3A_138 = arith.constant 0 : i32
      %dma_wait3A_139 = arith.constant 0 : i32
      %dma_wait3A_140 = tpu.memref_slice %arg3[%dma_wait3A_138, %dma_wait3A_139] : memref<1000000x128xf32, #tpu.memory_space<hbm>> -> memref<1000000x128xf32, #tpu.memory_space<hbm>>
      tpu.wait_indirect_dma semaphore(%arg12 : memref<!tpu.dma_semaphore, #tpu.memory_space<semaphore_mem>>) src(%dma_wait3A_140 : memref<1000000x128xf32, #tpu.memory_space<hbm>>) dst(%arg8 : memref<128x128xf32, #tpu.memory_space<vmem>>)
      %mul3A_141 = arith.constant 128 : i32
      %mul3A_142 = arith.muli %add3A_122, %mul3A_141 : i32
      %add3A_143 = arith.addi %mul3A_2, %mul3A_142 : i32
      %dma_start3A_144 = arith.constant 0 : i32
      %dma_start3A_145 = tpu.memref_slice %arg4[%add3A_143, %dma_start3A_144] : memref<204800x128xf32, #tpu.memory_space<hbm>> -> memref<128x128xf32, #tpu.memory_space<hbm>>
      %dma_start3A_146 = arith.constant 0 : i32
      %dma_start3A_147 = tpu.memref_slice %arg4[%add3A_143, %dma_start3A_146] : memref<204800x128xf32, #tpu.memory_space<hbm>> -> memref<128x128xf32, #tpu.memory_space<hbm>>
      tpu.enqueue_dma source(%arg8 : memref<128x128xf32, #tpu.memory_space<vmem>>) target(%dma_start3A_147 : memref<128x128xf32, #tpu.memory_space<hbm>>) target_semaphore(%arg16 : memref<!tpu.dma_semaphore, #tpu.memory_space<semaphore_mem>>)
      %mul3A_148 = arith.constant 4 : i32
      %mul3A_149 = arith.muli %mul3A_148, %scan3A_63 : i32
      %add3A_150 = arith.constant 3 : i32
      %add3A_151 = arith.addi %mul3A_149, %add3A_150 : i32
      %ge3A_152 = arith.constant 2 : i32
      %ge3A_153 = arith.cmpi sge, %add3A_151, %ge3A_152 : i32
      %convert_element_type3A_154 = arith.extui %ge3A_153 : i1 to i32
      %cond3A_155 = arith.constant 0 : i32
      %cond3A_156 = arith.cmpi ne, %convert_element_type3A_154, %cond3A_155 : i32
      scf.if %cond3A_156 {
        %sub3A = arith.constant 2 : i32
        %sub3A_178 = arith.subi %add3A_151, %sub3A : i32
        %mul3A_179 = arith.constant 128 : i32
        %mul3A_180 = arith.muli %sub3A_178, %mul3A_179 : i32
        %add3A_181 = arith.addi %mul3A_2, %mul3A_180 : i32
        %dma_wait3A_182 = arith.constant 0 : i32
        %dma_wait3A_183 = tpu.memref_slice %arg4[%add3A_181, %dma_wait3A_182] : memref<204800x128xf32, #tpu.memory_space<hbm>> -> memref<128x128xf32, #tpu.memory_space<hbm>>
        %dma_wait3A_184 = arith.constant 0 : i32
        %dma_wait3A_185 = tpu.memref_slice %arg4[%add3A_181, %dma_wait3A_184] : memref<204800x128xf32, #tpu.memory_space<hbm>> -> memref<128x128xf32, #tpu.memory_space<hbm>>
        tpu.wait_dma2 semaphore(%arg15 : memref<!tpu.dma_semaphore, #tpu.memory_space<semaphore_mem>>) src(%arg7 : memref<128x128xf32, #tpu.memory_space<vmem>>) dst(%dma_wait3A_185 : memref<128x128xf32, #tpu.memory_space<hbm>>)
      } else {
      }
      %add3A_157 = arith.constant 2 : i32
      %add3A_158 = arith.addi %add3A_151, %add3A_157 : i32
      %lt3A_159 = arith.constant 50 : i32
      %lt3A_160 = arith.cmpi slt, %add3A_158, %lt3A_159 : i32
      %convert_element_type3A_161 = arith.extui %lt3A_160 : i1 to i32
      %cond3A_162 = arith.constant 0 : i32
      %cond3A_163 = arith.cmpi ne, %convert_element_type3A_161, %cond3A_162 : i32
      scf.if %cond3A_163 {
        %add3A_178 = arith.constant 2 : i32
        %add3A_179 = arith.addi %add3A_151, %add3A_178 : i32
        %mul3A_180 = arith.constant 128 : i32
        %mul3A_181 = arith.muli %add3A_179, %mul3A_180 : i32
        %dma_start3A_182 = tpu.memref_slice %arg5[%mul3A_181] : memref<6400xi32, #tpu.memory_space<vmem>> -> memref<128xi32, #tpu.memory_space<vmem>>
        %dma_start3A_183 = arith.constant 0 : i32
        %dma_start3A_184 = arith.constant 0 : i32
        %dma_start3A_185 = tpu.memref_slice %arg3[%dma_start3A_183, %dma_start3A_184] : memref<1000000x128xf32, #tpu.memory_space<hbm>> -> memref<1000000x128xf32, #tpu.memory_space<hbm>>
        tpu.enqueue_indirect_dma source(%dma_start3A_185 : memref<1000000x128xf32, #tpu.memory_space<hbm>>) target(%arg7 : memref<128x128xf32, #tpu.memory_space<vmem>>) offsets(%dma_start3A_182 : memref<128xi32, #tpu.memory_space<vmem>>) semaphore(%arg11 : memref<!tpu.dma_semaphore, #tpu.memory_space<semaphore_mem>>)
      } else {
      }
      %mul3A_164 = arith.constant 128 : i32
      %mul3A_165 = arith.muli %add3A_151, %mul3A_164 : i32
      %dma_wait3A_166 = tpu.memref_slice %arg5[%mul3A_165] : memref<6400xi32, #tpu.memory_space<vmem>> -> memref<128xi32, #tpu.memory_space<vmem>>
      %dma_wait3A_167 = arith.constant 0 : i32
      %dma_wait3A_168 = arith.constant 0 : i32
      %dma_wait3A_169 = tpu.memref_slice %arg3[%dma_wait3A_167, %dma_wait3A_168] : memref<1000000x128xf32, #tpu.memory_space<hbm>> -> memref<1000000x128xf32, #tpu.memory_space<hbm>>
      tpu.wait_indirect_dma semaphore(%arg13 : memref<!tpu.dma_semaphore, #tpu.memory_space<semaphore_mem>>) src(%dma_wait3A_169 : memref<1000000x128xf32, #tpu.memory_space<hbm>>) dst(%arg9 : memref<128x128xf32, #tpu.memory_space<vmem>>)
      %mul3A_170 = arith.constant 128 : i32
      %mul3A_171 = arith.muli %add3A_151, %mul3A_170 : i32
      %add3A_172 = arith.addi %mul3A_2, %mul3A_171 : i32
      %dma_start3A_173 = arith.constant 0 : i32
      %dma_start3A_174 = tpu.memref_slice %arg4[%add3A_172, %dma_start3A_173] : memref<204800x128xf32, #tpu.memory_space<hbm>> -> memref<128x128xf32, #tpu.memory_space<hbm>>
      %dma_start3A_175 = arith.constant 0 : i32
      %dma_start3A_176 = tpu.memref_slice %arg4[%add3A_172, %dma_start3A_175] : memref<204800x128xf32, #tpu.memory_space<hbm>> -> memref<128x128xf32, #tpu.memory_space<hbm>>
      tpu.enqueue_dma source(%arg9 : memref<128x128xf32, #tpu.memory_space<vmem>>) target(%dma_start3A_176 : memref<128x128xf32, #tpu.memory_space<hbm>>) target_semaphore(%arg17 : memref<!tpu.dma_semaphore, #tpu.memory_space<semaphore_mem>>)
      %scan3A_177 = arith.constant 0 : i32
      scf.yield %scan3A_177 : i32
    }
    %scan3A_17 = arith.constant 12 : i32
    %add3A_18 = arith.constant 5888 : i32
    %add3A_19 = arith.addi %mul3A_2, %add3A_18 : i32
    %dma_wait3A = arith.constant 0 : i32
    %dma_wait3A_20 = tpu.memref_slice %arg4[%add3A_19, %dma_wait3A] : memref<204800x128xf32, #tpu.memory_space<hbm>> -> memref<128x128xf32, #tpu.memory_space<hbm>>
    %dma_wait3A_21 = arith.constant 0 : i32
    %dma_wait3A_22 = tpu.memref_slice %arg4[%add3A_19, %dma_wait3A_21] : memref<204800x128xf32, #tpu.memory_space<hbm>> -> memref<128x128xf32, #tpu.memory_space<hbm>>
    tpu.wait_dma2 semaphore(%arg16 : memref<!tpu.dma_semaphore, #tpu.memory_space<semaphore_mem>>) src(%arg8 : memref<128x128xf32, #tpu.memory_space<vmem>>) dst(%dma_wait3A_22 : memref<128x128xf32, #tpu.memory_space<hbm>>)
    %dma_wait3A_23 = arith.constant 6144 : i32
    %dma_wait3A_24 = tpu.memref_slice %arg5[%dma_wait3A_23] : memref<6400xi32, #tpu.memory_space<vmem>> -> memref<128xi32, #tpu.memory_space<vmem>>
    %dma_wait3A_25 = arith.constant 0 : i32
    %dma_wait3A_26 = arith.constant 0 : i32
    %dma_wait3A_27 = tpu.memref_slice %arg3[%dma_wait3A_25, %dma_wait3A_26] : memref<1000000x128xf32, #tpu.memory_space<hbm>> -> memref<1000000x128xf32, #tpu.memory_space<hbm>>
    tpu.wait_indirect_dma semaphore(%arg10 : memref<!tpu.dma_semaphore, #tpu.memory_space<semaphore_mem>>) src(%dma_wait3A_27 : memref<1000000x128xf32, #tpu.memory_space<hbm>>) dst(%arg6 : memref<128x128xf32, #tpu.memory_space<vmem>>)
    %add3A_28 = arith.constant 6144 : i32
    %add3A_29 = arith.addi %mul3A_2, %add3A_28 : i32
    %dma_start3A_30 = arith.constant 0 : i32
    %dma_start3A_31 = tpu.memref_slice %arg4[%add3A_29, %dma_start3A_30] : memref<204800x128xf32, #tpu.memory_space<hbm>> -> memref<128x128xf32, #tpu.memory_space<hbm>>
    %dma_start3A_32 = arith.constant 0 : i32
    %dma_start3A_33 = tpu.memref_slice %arg4[%add3A_29, %dma_start3A_32] : memref<204800x128xf32, #tpu.memory_space<hbm>> -> memref<128x128xf32, #tpu.memory_space<hbm>>
    tpu.enqueue_dma source(%arg6 : memref<128x128xf32, #tpu.memory_space<vmem>>) target(%dma_start3A_33 : memref<128x128xf32, #tpu.memory_space<hbm>>) target_semaphore(%arg14 : memref<!tpu.dma_semaphore, #tpu.memory_space<semaphore_mem>>)
    %add3A_34 = arith.constant 6016 : i32
    %add3A_35 = arith.addi %mul3A_2, %add3A_34 : i32
    %dma_wait3A_36 = arith.constant 0 : i32
    %dma_wait3A_37 = tpu.memref_slice %arg4[%add3A_35, %dma_wait3A_36] : memref<204800x128xf32, #tpu.memory_space<hbm>> -> memref<128x128xf32, #tpu.memory_space<hbm>>
    %dma_wait3A_38 = arith.constant 0 : i32
    %dma_wait3A_39 = tpu.memref_slice %arg4[%add3A_35, %dma_wait3A_38] : memref<204800x128xf32, #tpu.memory_space<hbm>> -> memref<128x128xf32, #tpu.memory_space<hbm>>
    tpu.wait_dma2 semaphore(%arg17 : memref<!tpu.dma_semaphore, #tpu.memory_space<semaphore_mem>>) src(%arg9 : memref<128x128xf32, #tpu.memory_space<vmem>>) dst(%dma_wait3A_39 : memref<128x128xf32, #tpu.memory_space<hbm>>)
    %dma_wait3A_40 = arith.constant 6272 : i32
    %dma_wait3A_41 = tpu.memref_slice %arg5[%dma_wait3A_40] : memref<6400xi32, #tpu.memory_space<vmem>> -> memref<128xi32, #tpu.memory_space<vmem>>
    %dma_wait3A_42 = arith.constant 0 : i32
    %dma_wait3A_43 = arith.constant 0 : i32
    %dma_wait3A_44 = tpu.memref_slice %arg3[%dma_wait3A_42, %dma_wait3A_43] : memref<1000000x128xf32, #tpu.memory_space<hbm>> -> memref<1000000x128xf32, #tpu.memory_space<hbm>>
    tpu.wait_indirect_dma semaphore(%arg11 : memref<!tpu.dma_semaphore, #tpu.memory_space<semaphore_mem>>) src(%dma_wait3A_44 : memref<1000000x128xf32, #tpu.memory_space<hbm>>) dst(%arg7 : memref<128x128xf32, #tpu.memory_space<vmem>>)
    %add3A_45 = arith.constant 6272 : i32
    %add3A_46 = arith.addi %mul3A_2, %add3A_45 : i32
    %dma_start3A_47 = arith.constant 0 : i32
    %dma_start3A_48 = tpu.memref_slice %arg4[%add3A_46, %dma_start3A_47] : memref<204800x128xf32, #tpu.memory_space<hbm>> -> memref<128x128xf32, #tpu.memory_space<hbm>>
    %dma_start3A_49 = arith.constant 0 : i32
    %dma_start3A_50 = tpu.memref_slice %arg4[%add3A_46, %dma_start3A_49] : memref<204800x128xf32, #tpu.memory_space<hbm>> -> memref<128x128xf32, #tpu.memory_space<hbm>>
    tpu.enqueue_dma source(%arg7 : memref<128x128xf32, #tpu.memory_space<vmem>>) target(%dma_start3A_50 : memref<128x128xf32, #tpu.memory_space<hbm>>) target_semaphore(%arg15 : memref<!tpu.dma_semaphore, #tpu.memory_space<semaphore_mem>>)
    %add3A_51 = arith.constant 6144 : i32
    %add3A_52 = arith.addi %mul3A_2, %add3A_51 : i32
    %dma_wait3A_53 = arith.constant 0 : i32
    %dma_wait3A_54 = tpu.memref_slice %arg4[%add3A_52, %dma_wait3A_53] : memref<204800x128xf32, #tpu.memory_space<hbm>> -> memref<128x128xf32, #tpu.memory_space<hbm>>
    %dma_wait3A_55 = arith.constant 0 : i32
    %dma_wait3A_56 = tpu.memref_slice %arg4[%add3A_52, %dma_wait3A_55] : memref<204800x128xf32, #tpu.memory_space<hbm>> -> memref<128x128xf32, #tpu.memory_space<hbm>>
    tpu.wait_dma2 semaphore(%arg14 : memref<!tpu.dma_semaphore, #tpu.memory_space<semaphore_mem>>) src(%arg6 : memref<128x128xf32, #tpu.memory_space<vmem>>) dst(%dma_wait3A_56 : memref<128x128xf32, #tpu.memory_space<hbm>>)
    %add3A_57 = arith.constant 6272 : i32
    %add3A_58 = arith.addi %mul3A_2, %add3A_57 : i32
    %dma_wait3A_59 = arith.constant 0 : i32
    %dma_wait3A_60 = tpu.memref_slice %arg4[%add3A_58, %dma_wait3A_59] : memref<204800x128xf32, #tpu.memory_space<hbm>> -> memref<128x128xf32, #tpu.memory_space<hbm>>
    %dma_wait3A_61 = arith.constant 0 : i32
    %dma_wait3A_62 = tpu.memref_slice %arg4[%add3A_58, %dma_wait3A_61] : memref<204800x128xf32, #tpu.memory_space<hbm>> -> memref<128x128xf32, #tpu.memory_space<hbm>>
    tpu.wait_dma2 semaphore(%arg15 : memref<!tpu.dma_semaphore, #tpu.memory_space<semaphore_mem>>) src(%arg7 : memref<128x128xf32, #tpu.memory_space<vmem>>) dst(%dma_wait3A_62 : memref<128x128xf32, #tpu.memory_space<hbm>>)
    return
  }
}

module attributes {stable_mosaic.version = 14 : i64} {
  func.func @_tc_ln_body(%arg0: i32, %arg1: memref<3200x128xf32, #tpu.memory_space<vmem>>, %arg2: memref<3200x128xf32, #tpu.memory_space<vmem>>, %arg3: memref<1x128xf32, #tpu.memory_space<vmem>>, %arg4: memref<1x128xf32, #tpu.memory_space<vmem>>, %arg5: memref<3200x128xf32, #tpu.memory_space<vmem>>) attributes {dimension_semantics = [#tpu.dimension_semantics<arbitrary>], iteration_bounds = array<i64: 64>, scalar_prefetch = 0 : i64, scratch_operands = 0 : i64, tpu.core_type = #tpu.core_type<tc>, window_params = [{transform_indices = @transform_0, window_bounds = array<i64: 3200, 128>}, {pipeline_mode = #tpu.pipeline_mode<synchronous>, transform_indices = @transform_1, window_bounds = array<i64: 3200, 128>}, {pipeline_mode = #tpu.pipeline_mode<synchronous>, transform_indices = @transform_2, window_bounds = array<i64: 1, 128>}, {pipeline_mode = #tpu.pipeline_mode<synchronous>, transform_indices = @transform_3, window_bounds = array<i64: 1, 128>}, {transform_indices = @transform_4, window_bounds = array<i64: 3200, 128>}]} {
    %get3A = arith.constant 0 : index
    %get3A_0 = arith.constant 0 : index
    %get3A_1 = vector.load %arg1[%get3A, %get3A_0] : memref<3200x128xf32, #tpu.memory_space<vmem>>, vector<3200x128xf32>
    %get3A_2 = arith.constant 0 : index
    %get3A_3 = arith.constant 0 : index
    %get3A_4 = vector.load %arg2[%get3A_2, %get3A_3] : memref<3200x128xf32, #tpu.memory_space<vmem>>, vector<3200x128xf32>
    %add3A = arith.addf %get3A_1, %get3A_4 : vector<3200x128xf32>
    %reduce_sum3A = arith.constant dense<0.000000e+00> : vector<3200xf32>
    %reduce_sum3A_5 = vector.multi_reduction <add>, %add3A, %reduce_sum3A [1] : vector<3200x128xf32> to vector<3200xf32>
    %broadcast_in_dim3A = vector.shape_cast %reduce_sum3A_5 : vector<3200xf32> to vector<3200x1xf32>
    %div3A = arith.constant 1.280000e+02 : f32
    %div3A_6 = vector.broadcast %div3A : f32 to vector<3200x1xf32>
    %div3A_7 = arith.divf %broadcast_in_dim3A, %div3A_6 : vector<3200x1xf32>
    %sub3A = vector.broadcast %div3A_7 : vector<3200x1xf32> to vector<3200x128xf32>
    %sub3A_8 = arith.subf %add3A, %sub3A : vector<3200x128xf32>
    %mul3A = arith.mulf %sub3A_8, %sub3A_8 : vector<3200x128xf32>
    %reduce_sum3A_9 = arith.constant dense<0.000000e+00> : vector<3200xf32>
    %reduce_sum3A_10 = vector.multi_reduction <add>, %mul3A, %reduce_sum3A_9 [1] : vector<3200x128xf32> to vector<3200xf32>
    %broadcast_in_dim3A_11 = vector.shape_cast %reduce_sum3A_10 : vector<3200xf32> to vector<3200x1xf32>
    %div3A_12 = arith.constant 1.280000e+02 : f32
    %div3A_13 = vector.broadcast %div3A_12 : f32 to vector<3200x1xf32>
    %div3A_14 = arith.divf %broadcast_in_dim3A_11, %div3A_13 : vector<3200x1xf32>
    %add3A_15 = arith.constant 9.99999974E-6 : f32
    %add3A_16 = vector.broadcast %add3A_15 : f32 to vector<3200x1xf32>
    %add3A_17 = arith.addf %div3A_14, %add3A_16 : vector<3200x1xf32>
    %rsqrt3A = math.rsqrt %add3A_17 : vector<3200x1xf32>
    %mul3A_18 = vector.broadcast %rsqrt3A : vector<3200x1xf32> to vector<3200x128xf32>
    %mul3A_19 = arith.mulf %sub3A_8, %mul3A_18 : vector<3200x128xf32>
    %get3A_20 = arith.constant 0 : index
    %get3A_21 = arith.constant 0 : index
    %get3A_22 = vector.load %arg3[%get3A_20, %get3A_21] : memref<1x128xf32, #tpu.memory_space<vmem>>, vector<1x128xf32>
    %mul3A_23 = vector.broadcast %get3A_22 : vector<1x128xf32> to vector<3200x128xf32>
    %mul3A_24 = arith.mulf %mul3A_19, %mul3A_23 : vector<3200x128xf32>
    %get3A_25 = arith.constant 0 : index
    %get3A_26 = arith.constant 0 : index
    %get3A_27 = vector.load %arg4[%get3A_25, %get3A_26] : memref<1x128xf32, #tpu.memory_space<vmem>>, vector<1x128xf32>
    %add3A_28 = vector.broadcast %get3A_27 : vector<1x128xf32> to vector<3200x128xf32>
    %add3A_29 = arith.addf %mul3A_24, %add3A_28 : vector<3200x128xf32>
    %swap3A = arith.constant 0 : index
    %swap3A_30 = arith.constant 0 : index
    %swap3A_31 = vector.load %arg5[%swap3A, %swap3A_30] : memref<3200x128xf32, #tpu.memory_space<vmem>>, vector<3200x128xf32>
    tpu.vector_store %arg5[%swap3A, %swap3A_30], %add3A_29 {strides = array<i32>} : memref<3200x128xf32, #tpu.memory_space<vmem>>, vector<3200x128xf32>,
    return
  }
  func.func @transform_0(%arg0: i32) -> (i32, i32) {
    %c0_i32 = arith.constant 0 : i32
    %c0_i32_0 = arith.constant 0 : i32
    return %arg0, %c0_i32 : i32, i32
  }
  func.func @transform_1(%arg0: i32) -> (i32, i32) {
    %c0_i32 = arith.constant 0 : i32
    %c0_i32_0 = arith.constant 0 : i32
    %c0_i32_1 = arith.constant 0 : i32
    return %c0_i32, %c0_i32_0 : i32, i32
  }
  func.func @transform_2(%arg0: i32) -> (i32, i32) {
    %c0_i32 = arith.constant 0 : i32
    %c0_i32_0 = arith.constant 0 : i32
    %c0_i32_1 = arith.constant 0 : i32
    return %c0_i32, %c0_i32_0 : i32, i32
  }
  func.func @transform_3(%arg0: i32) -> (i32, i32) {
    %c0_i32 = arith.constant 0 : i32
    %c0_i32_0 = arith.constant 0 : i32
    %c0_i32_1 = arith.constant 0 : i32
    return %c0_i32, %c0_i32_0 : i32, i32
  }
  func.func @transform_4(%arg0: i32) -> (i32, i32) {
    %c0_i32 = arith.constant 0 : i32
    %c0_i32_0 = arith.constant 0 : i32
    return %arg0, %c0_i32 : i32, i32
  }
}

</mosaic_0001>

<sc_bundles>
// kernel: kernel.4.cloned.1.call-start
scs
__scs_entry_jumppad:
0x0: {  	(pc) =	sbr.rel $0x88, $3  }
0x1: {  	(tag) =	ssettag $0x0;
	lr =	simm.s32 $0x1  }
0x2: {  	[smem:$0x3F9C] =	sst lr;
	_ =	strace $0xD0000000  }
0x3: {  	_ = 	snop  }
0x4: {  	_ = 	snop  }
0x5: {  	_ = 	snop  }
0x6: {  	_ = 	snop  }
0x7: {  	_ = 	snop  }
__scs_overlays_trampoline_lowered:
0x8: {  	[smem:$0x3FAB] =	sst s0  }
0x9: {  	[smem:$0x3FAC] =	sst s1  }
0xa: {  	[smem:$0x3FAD] =	sst s2  }
0xb: {  	[smem:$0x3FAE] =	sst s3  }
0xc: {  	[smem:$0x3FAF] =	sst s4  }
0xd: {  	[smem:$0x3FB0] =	sst s5  }
0xe: {  	[smem:$0x3FB1] =	sst s6  }
0xf: {  	[smem:$0x3FB2] =	sst s7  }
0x10: {  	[smem:$0x3FB3] =	sst s8  }
0x11: {  	[smem:$0x3FB4] =	sst s9;
	s0 =	simm.s32 @!p0 $0x0  }
0x12: {  	s1 =	sld [smem:$0x3F9A];
	s0 =	simm.s32 @p0 $0x1  }
0x13: {  	[smem:$0x3FB5] =	sst s0;
	s0 =	simm.s32 @!p1 $0x0  }
0x14: {  	s2 =	sld [smem:$0x3F99];
	s0 =	simm.s32 @p1 $0x1  }
0x15: {  	[smem:$0x3FB6] =	sst s0;
	s0 =	simm.s32 @!p2 $0x0  }
0x16: {  	s3 =	sld [smem:$0x3FDB];
	s0 =	simm.s32 @p2 $0x1  }
0x17: {  	s4 =	simm.s32 $0x1BF5;
	[smem:$0x3FB8] =	sst s0  }
0x18: {  	s0 =	sld [smem:$0x3F9B];
	_ =	swait.ge [sflag:s4], $0x0  }
0x19: {  	s7 =	sld [smem:$0x3F9C]  }
0x1a: {  	s8 =	sadd.s32 $0xFFFFE003, lr  }
0x1b: {  	s9 =	sadd.s32 $0xFFFFFEF7, lr;
	s5 =	simm.s32 $0xFFFFFFFF;
	p2 =	slt.u32 s8, $0xFFFFF086  }
0x1c: {  	p1 =	slt.u32 s9, $0xF7A;
	s5 =	simm.s32 @!p2 $0x0  }
0x1d: {  	s5 =	simm.s32 @p1 $0x1;
	p0 =	seq.s32 s7, s2  }
0x1e: {  	s7 =	smul.u32 @!p0 $0xF7A, s2;
	p2 =	seq.s32 @!p0 s5, $0x0  }
0x1f: {  	s9 =	smul.u32 $0xF7A, s1;
	s8 =	simm.s32 @!p0 $0x1BF5;
	p2 =	por !p2, p0  }
0x20: {  	[sflag:s8] =	ssyncset.s32 @!p0 $0xFFFFF086;
	s6 =	sadd.s32 @!p0 s3, s7;
	s7 =	simm.s32 @!p0 $0x108  }
0x21: {  	s3 =	sadd.s32 s3, s9;
	s6 =	sadd.s32 @!p0 $0x88, s6;
	s7 =	simm.s32 @p2 $0x1082  }
0x22: {  	[simem:s7], [sflag:s8] =	dma.local @!p0 [hbm:s6], $0xF7A  }
0x23: {  	s9 =	sor.u32 $0xD0000000, s2;
	s6 =	simm.s32 $0x108;
	_ =	swait.ge @!p0 [sflag:s8], $0x0  }
0x24: {  	s3 =	sadd.s32 $0x88, s3;
	s6 =	simm.s32 @!p1 $0x1082;
	[sflag:s4] =	ssyncset.s32 $0xFFFFF086  }
0x25: {  	[simem:s6], [sflag:s4] =	dma.local [hbm:s3], $0xF7A  }
0x26: {  	[smem:$0x3F9C] =	sst s1;
	(tag) =	ssettag s2;
	_ =	strace s9  }
0x27: {  	s1 =	sld [smem:$0x3FAC]  }
0x28: {  	s2 =	sld [smem:$0x3FAD]  }
0x29: {  	s4 =	sld [smem:$0x3FAF]  }
0x2a: {  	p0 =	seq.s32 s5, $0x0;
	s5 =	sld [smem:$0x3FB0]  }
0x2b: {  	s6 =	sld [smem:$0x3FB1]  }
0x2c: {  	s7 =	sld [smem:$0x3FB2]  }
0x2d: {  	s3 =	simm.s32 $0x108;
	s8 =	sld [smem:$0x3FB3]  }
0x2e: {  	s3 =	simm.s32 @!p0 $0x1082;
	s9 =	sld [smem:$0x3FB4]  }
0x2f: {  	lr =	sadd.s32 s0, s3;
	s0 =	sld [smem:$0x3FAB]  }
0x30: {  	s3 =	sld [smem:$0x3FAE]  }
0x31: {  	[smem:$0x3FB7] =	sst s10  }
0x32: {  	s10 =	sld [smem:$0x3FB5];
	_ =	sdelay $0x3  }
0x33: {  	p0 =	seq.s32 s10, $0x1;
	s10 =	sld [smem:$0x3FB7];
	_ =	sdelay $0x3  }
0x34: {  	[smem:$0x3FB7] =	sst s10  }
0x35: {  	s10 =	sld [smem:$0x3FB6];
	_ =	sdelay $0x3  }
0x36: {  	p1 =	seq.s32 s10, $0x1;
	s10 =	sld [smem:$0x3FB7];
	_ =	sdelay $0x3  }
0x37: {  	[smem:$0x3FB7] =	sst s10  }
0x38: {  	s10 =	sld [smem:$0x3FB8]  }
0x39: {  	_ = 	snop;
	(pc) =	sbr.ind lr, $3  }
0x3a: {  	_ = 	snop  }
0x3b: {  	_ = 	snop  }
0x3c: {  	p2 =	seq.s32 s10, $0x1;
	s10 =	sld [smem:$0x3FB7]  }
0x3d: {  	_ =	shalt  }
0x3e: {  	_ =	shalt  }
0x3f: {  	_ =	shalt  }
0x40: {  	_ =	shalt  }
0x41: {  	_ =	shalt  }
0x42: {  	_ =	shalt  }
0x43: {  	_ =	shalt  }
0x44: {  	_ =	shalt  }
0x45: {  	_ =	shalt  }
0x46: {  	_ =	shalt  }
0x47: {  	_ =	shalt  }
0x48: {  	_ =	shalt  }
0x49: {  	_ =	shalt  }
0x4a: {  	_ =	shalt  }
0x4b: {  	_ =	shalt  }
0x4c: {  	_ =	shalt  }
0x4d: {  	_ =	shalt  }
0x4e: {  	_ =	shalt  }
0x4f: {  	_ =	shalt  }
0x50: {  	_ =	shalt  }
0x51: {  	_ =	shalt  }
0x52: {  	_ =	shalt  }
0x53: {  	_ =	shalt  }
0x54: {  	_ =	shalt  }
0x55: {  	_ =	shalt  }
0x56: {  	_ =	shalt  }
0x57: {  	_ =	shalt  }
0x58: {  	_ =	shalt  }
0x59: {  	_ =	shalt  }
0x5a: {  	_ =	shalt  }
0x5b: {  	_ =	shalt  }
0x5c: {  	_ =	shalt  }
0x5d: {  	_ =	shalt  }
0x5e: {  	_ =	shalt  }
0x5f: {  	_ =	shalt  }
0x60: {  	_ =	shalt  }
0x61: {  	_ =	shalt  }
0x62: {  	_ =	shalt  }
0x63: {  	_ =	shalt  }
0x64: {  	_ =	shalt  }
0x65: {  	_ =	shalt  }
0x66: {  	_ =	shalt  }
0x67: {  	_ =	shalt  }
0x68: {  	_ =	shalt  }
0x69: {  	_ =	shalt  }
0x6a: {  	_ =	shalt  }
0x6b: {  	_ =	shalt  }
0x6c: {  	_ =	shalt  }
0x6d: {  	_ =	shalt  }
0x6e: {  	_ =	shalt  }
0x6f: {  	_ =	shalt  }
0x70: {  	_ =	shalt  }
0x71: {  	_ =	shalt  }
0x72: {  	_ =	shalt  }
0x73: {  	_ =	shalt  }
0x74: {  	_ =	shalt  }
0x75: {  	_ =	shalt  }
0x76: {  	_ =	shalt  }
0x77: {  	_ =	shalt  }
0x78: {  	_ =	shalt  }
0x79: {  	_ =	shalt  }
0x7a: {  	_ =	shalt  }
0x7b: {  	_ =	shalt  }
0x7c: {  	_ =	shalt  }
0x7d: {  	_ =	shalt  }
0x7e: {  	_ =	shalt  }
0x7f: {  	_ =	shalt  }
0x80: {  	_ =	shalt  }
0x81: {  	_ =	shalt  }
0x82: {  	_ =	shalt  }
0x83: {  	_ =	shalt  }
0x84: {  	_ =	shalt  }
0x85: {  	_ =	shalt  }
0x86: {  	_ =	shalt  }
0x87: {  	_ =	shalt  }
.Lfunc_end0:
.L_simem_size_0:
called_computation_lowered:
.L_overlay_start_0:
0x88: {  	s2 =	sld [smem:$0x3FD9]  }
0x89: {  	s3 =	sld [smem:$0x3FFE];
	_ =	sdelay $0x1  }
0x8a: {  	s1 =	srdreg.scid  }
0x8b: {  	s0 =	sand.u32 $0x1, s1  }
0x8c: {  	s17 =	sshll.u32 s0, $0xA;
	s2 =	sadd.s32 s3, s2  }
0x8d: {  	s2 =	sadd.s32 s2, s17  }
0x8e: {  	[smem:$0x3FC3] =	sst s2  }
0x8f: {  	_ = 	snop  }
0x90: {  	s2 =	sld [smem:$0x3FC8]  }
0x91: {  	s18 =	sld [smem:$0x3FD0];
	(tm) =	ssettm $0x1  }
0x92: {  	s4 =	sld [smem:$0x3FFB];
	_ =	sdelay $0x3  }
0x93: {  	_ =	strace s4  }
0x94: {  	s4 =	sld [smem:$0x3FFC];
	_ =	sdelay $0x3  }
0x95: {  	_ =	strace s4  }
0x96: {  	s4 =	sld [smem:$0x3FFD];
	_ =	sdelay $0x3  }
0x97: {  	_ =	strace s4  }
0x98: {  	_ =	strace $0x8FFFFFFF  }
0x99: {  	s19 =	sld [smem:$0x3FDB];
	_ =	sdelay $0x1  }
0x9a: {  	s5 =	simm.s32 $_scs_section_size  }
0x9b: {  	s6 =	simm.s32 $_size__tile_overlayer_lowered;
	s7 =	simm.s32 $_tile_overlayer_lowered  }
0x9c: {  	s22 =	simm.s32 $0x1BFF;
	s21 =	sshll.u32 s7, $0x1;
	s4 =	sadd.s32 s5, s19  }
0x9d: {  	s8 =	simm.s32 $0x0;
	s20 =	sshll.u32 s6, $0x1;
	s6 =	sadd.s32 s21, s4  }
0x9e: {  	[timem:s8], [sflag:s22] =	dma.local [hbm:s6], s20  }
0x9f: {  	_ =	swait.ge [sflag:s22], s20  }
0xa0: {  	s5 =	ssub.s32 $0x0, s20;
	[sflag:s22] =	ssyncset.done $0x0  }
0xa1: {  	[sflag:s22] =	ssyncadd.s32 s5;
	_ =	sdelay $0x1  }
0xa2: {  	s23 =	simm.s32 $0x1B8B  }
0xa3: {  	_ =	swait.ge [sflag:s23], $0x1  }
0xa4: {  	[sflag:s23] =	ssyncset.done $0x0  }
0xa5: {  	s25 =	simm.s32 $0x1B8E;
	s24 =	sld [smem:$0x3FFE];
	[sflag:s23] =	ssyncadd.s32 $0xFFFFFFFF  }
0xa6: {  	s26 =	simm.s32 $execute0_lowered;
	[smem:$0x3FD2] =	sst s25  }
0xa7: {  	s6 =	sshll.u32 s26, $0x1;
	_ =	strace $0x80000046;
	[dreg:$0x1] =	wrdreg $0xFFFFFFFF  }
0xa8: {  	s28 =	simm.s32 $_size_execute0_lowered;
	s4 =	sadd.s32 s4, s6;
	[dreg:$0x0] =	wrdreg $0x0  }
0xa9: {  	s6 =	sshll.u32 s28, $0x1;
	[dreg:$0x2] =	wrdreg s4  }
0xaa: {  	[dreg:$0x3] =	wrdreg s6  }
0xab: {  	[dreg:$0x4] =	wrdreg $0xC0  }
0xac: {  	_ =	task [dreg:s8], $0x5FFFF  }
0xad: {  	[dreg:$0x1] =	wrdreg $0xFFFFFFFF  }
0xae: {  	[dreg:$0x0] =	wrdreg $0x60  }
0xaf: {  	[dreg:$0x2] =	wrdreg s18  }
0xb0: {  	[dreg:$0x3] =	wrdreg s2  }
0xb1: {  	[dreg:$0x4] =	wrdreg s24  }
0xb2: {  	[dreg:$0x5] =	wrdreg $0x9  }
0xb3: {  	_ =	task.clear_ibuf [dreg:s8], $0x6FFFF;
	_ =	strace $0x90000046  }
0xb4: {  	s29 =	simm.s32 $0x9;
	_ =	strace $0x80000048  }
0xb5: {  	_ =	swait.ge [sflag:s29], $0x1  }
0xb6: {  	[sflag:s29] =	ssyncadd.s32 $0xFFFFFFFF  }
0xb7: {  	_ =	strace $0x90000048  }
0xb8: {  	_ =	sfence  }
0xb9: {  	s30 =	sld [smem:$0x0];
	_ =	sdelay $0x2  }
0xba: {  	s31 =	sshll.u32 s1, $0xD;
	s1 =	sshrl.u32 s1, $0x2  }
0xbb: {  	s3 =	sand.u32 $0x4000, s31;
	s1 =	sadd.s32 s1, s30  }
0xbc: {  	s0 =	sor.u32 s3, s0;
	s1 =	sshll.u32 s1, $0x11  }
0xbd: {  	s0 =	sor.u32 s1, s0  }
0xbe: {  	s0 =	sadd.s32 $0x8F2B, s0  }
0xbf: {  	[sflag:s0] =	ssyncadd.remote.s32 $0x1  }
0xc0: {  	_ =	sfence.sel $0xFFFF  }
0xc1: {  	[dreg:$0x0] =	wrdreg $0xFFFFFFFF;
	(pc) =	sbr.abs _section_cstart, $3  }
0xc2: {  	[dreg:$0x1] =	wrdreg $0xFFFFFFFF  }
0xc3: {  	_ =	task.clear_ibuf [dreg:s8], $0x2FFFF;
	_ =	strace $0x9FFFFFFF  }
0xc4: {  	(tm) =	ssettm $0x7FFFFFFF  }
0xc5: {  	_ =	shalt  }
tec
execute0_lowered:
.L_overlay_start_1:
0x0: {  	(tag) =	ssettag $0x1  }
0x1: {  	s0 =	rddreg [dreg:$0x0]  }
0x2: {  	s2 =	rddreg [dreg:$0x1];
	s1 =	srdreg.scid  }
0x3: {  	s10 =	stileid.u32;
	s4 =	rddreg [dreg:$0x2]  }
0x4: {  	s3 =	simm.s32 $0x0;
	s28 =	simm.s32 $0x5;
	s17 =	smul.u32 $0x32000, s10  }
0x5: {  	s30 =	simm.s32 $0x3;
	s1 =	sand.u32 $0x1, s1;
	s20 =	smul.u32 $0x190000, s10  }
0x6: {  	s31 =	simm.s32 $0x6;
	s5 =	sshll.u32 s10, $0x1;
	s18 =	smul.u32 $0x19000, s1  }
0x7: {  	s5 =	sor.u32 s1, s5;
	s7 =	ssub.s32 $0x2, s1;
	s1 =	smul.u32 $0xC8000, s1  }
0x8: {  	s29 =	simm.s32 $0x0;
	[smem:$0x7FF] =	sst s3;
	s6 =	smul.u32 $0x320, s5  }
0x9: {  	s4 =	sadd.s32 $0xC00, s4;
	_ =	strace $0x80000047;
	s8 =	smul.u32 $0xC8000, s5  }
0xa: {  	s9 =	sshrl.u32 s7, $0x1;
	s5 =	smul.u32 $0x19000, s5;
	s22 =	sadd.s32 s17, s4  }
0xb: {  	s17 =	simm.s32 $0x9;
	s7 =	ssub.s32 s7, s9;
	s1 =	sadd.s32 s1, s20  }
0xc: {  	s20 =	simm.s32 $0x5900;
	s8 =	sshrl.u32 s8, $0x3;
	s0 =	sadd.s32 s0, s6  }
0xd: {  	s7 =	smax.u32 s7, $0x1;
	s5 =	sadd.s32 s5, s4;
	s24 =	sadd.s32 $0x1C000, s1  }
0xe: {  	s25 =	sadd.s32 $0x18000, s1;
	s14 =	sadd.s32 $0x10000, s1;
	[dreg:$0x4] =	wrdreg s0  }
0xf: {  	s6 =	sadd.s32 s4, s8;
	[dreg:$0x7] =	wrdreg s7;
	s5 =	sadd.s32 $0x800, s5  }
0x10: {  	s0 =	sadd.s32 s18, s22;
	s26 =	sshrl.u32 s25, $0x3;
	s18 =	simm.s32 $0x80  }
0x11: {  	s22 =	simm.s32 $0x9900;
	s25 =	simm.s32 $0xD900;
	s8 =	sadd.s32 $0x18000, s6  }
0x12: {  	s19 =	sadd.s32 $0x18800, s6;
	[dreg:$0x8] =	wrdreg s5;
	s21 =	sadd.s32 $0x1000, s6  }
0x13: {  	s23 =	sadd.s32 $0x1800, s6;
	s13 =	sadd.s32 $0x2800, s0;
	[dreg:$0x5] =	wrdreg s8  }
0x14: {  	s0 =	sshrl.u32 s24, $0x3;
	s16 =	sadd.s32 s26, s4;
	[dreg:$0x6] =	wrdreg s19  }
0x15: {  	s26 =	simm.s32 $0x2;
	s24 =	simm.s32 $0x8;
	[dreg:$0x9] =	wrdreg s21  }
0x16: {  	[dreg:$0xa] =	wrdreg s23;
	s10 =	sadd.s32 s0, s4;
	s19 =	simm.s32 $0x1900  }
0x17: {  	s23 =	simm.s32 $0x1;
	s0 =	simm.s32 $0x4;
	s21 =	simm.s32 $0x7  }
.LBB2_1:
0x18: {  	s1 =	rddreg [dreg:$0x4]  }
0x19: {  	[tilespmem:s3], [sflag:$0x9] =	stream.linear.gather [hbm4b:s1+s3], $0x1900, $0x38;
	[tilespmem:$0x11900] =	vst v63  }
0x1a: {  	_ =	swait.ge [sflag:s17], $0x1900  }
0x1b: {  	[sflag:s17] =	ssyncset.done $0x0  }
0x1c: {  	[sflag:s17] =	ssyncadd.s32 $0xFFFFE700  }
0x1d: {  	[tilespmem:s19], [sflag:$0x1] =	stream.indirect.gather [hbm4b:s2+s18], $0x80, s3, s18, $0xb8;
	[tilespmem:$0x11900] =	vst v63  }
0x1e: {  	_ = 	snop  }
0x1f: {  	[tilespmem:s20], [sflag:$0x2] =	stream.indirect.gather [hbm4b:s2+s18], $0x80, s18, s18, $0xb8;
	[tilespmem:$0x11900] =	vst v63  }
0x20: {  	s8 =	simm.s32 $0x100  }
0x21: {  	[tilespmem:s22], [sflag:$0x3] =	stream.indirect.gather [hbm4b:s2+s18], $0x80, s8, s18, $0xb8;
	[tilespmem:$0x11900] =	vst v63  }
0x22: {  	_ =	swait.ge [sflag:s23], $0x4000  }
0x23: {  	[sflag:s23] =	ssyncset.done $0x0  }
0x24: {  	[sflag:s23] =	ssyncadd.s32 $0xFFFFC000  }
0x25: {  	[hbm4b:s6+s3] =	stream.linear.scatter [tilespmem:s19], [sflag:$0x5], $0x4000, $0x38;
	[tilespmem:$0x11900] =	vst v63  }
0x26: {  	s9 =	simm.s32 $0x180  }
0x27: {  	[tilespmem:s25], [sflag:$0x4] =	stream.indirect.gather [hbm4b:s2+s18], $0x80, s9, s18, $0xb8;
	[tilespmem:$0x11900] =	vst v63  }
0x28: {  	_ =	swait.ge [sflag:s26], $0x4000  }
0x29: {  	[sflag:s26] =	ssyncset.done $0x0  }
0x2a: {  	s11 =	rddreg [dreg:$0x8];
	[sflag:s26] =	ssyncadd.s32 $0xFFFFC000  }
0x2b: {  	[hbm4b:s11+s3] =	stream.linear.scatter [tilespmem:s20], [sflag:$0x6], $0x4000, $0x38;
	[tilespmem:$0x11900] =	vst v63  }
0x2c: {  	_ =	swait.ge [sflag:s28], $0x4000  }
0x2d: {  	[sflag:s28] =	ssyncset.done $0x0  }
0x2e: {  	s12 =	simm.s32 $0x200;
	[sflag:s28] =	ssyncadd.s32 $0xFFFFC000  }
0x2f: {  	[tilespmem:s19], [sflag:$0x1] =	stream.indirect.gather [hbm4b:s2+s18], $0x80, s12, s18, $0xb8;
	[tilespmem:$0x11900] =	vst v63  }
0x30: {  	_ =	swait.ge [sflag:s30], $0x4000  }
0x31: {  	[sflag:s30] =	ssyncset.done $0x0  }
0x32: {  	s15 =	rddreg [dreg:$0x9];
	[sflag:s30] =	ssyncadd.s32 $0xFFFFC000  }
0x33: {  	[hbm4b:s15+s3] =	stream.linear.scatter [tilespmem:s22], [sflag:$0x7], $0x4000, $0x38;
	[tilespmem:$0x11900] =	vst v63  }
0x34: {  	_ =	swait.ge [sflag:s31], $0x4000  }
0x35: {  	[sflag:s31] =	ssyncset.done $0x0  }
0x36: {  	s5 =	simm.s32 $0x280;
	[sflag:s31] =	ssyncadd.s32 $0xFFFFC000  }
0x37: {  	[tilespmem:s20], [sflag:$0x2] =	stream.indirect.gather [hbm4b:s2+s18], $0x80, s5, s18, $0xb8;
	[tilespmem:$0x11900] =	vst v63  }
0x38: {  	_ =	swait.ge [sflag:s0], $0x4000  }
0x39: {  	[sflag:s0] =	ssyncset.done $0x0  }
0x3a: {  	s7 =	rddreg [dreg:$0xa];
	[sflag:s0] =	ssyncadd.s32 $0xFFFFC000  }
0x3b: {  	[hbm4b:s7+s3] =	stream.linear.scatter [tilespmem:s25], [sflag:$0x8], $0x4000, $0x38;
	[tilespmem:$0x11900] =	vst v63  }
0x3c: {  	_ =	swait.ge [sflag:s21], $0x4000  }
0x3d: {  	[sflag:s21] =	ssyncset.done $0x0  }
0x3e: {  	s8 =	simm.s32 $0x300;
	[sflag:s21] =	ssyncadd.s32 $0xFFFFC000  }
0x3f: {  	[tilespmem:s22], [sflag:$0x3] =	stream.indirect.gather [hbm4b:s2+s18], $0x80, s8, s18, $0xb8;
	[tilespmem:$0x11900] =	vst v63  }
0x40: {  	_ =	swait.ge [sflag:s23], $0x4000  }
0x41: {  	s9 =	sshrl.u32 s14, $0x3;
	[sflag:s23] =	ssyncset.done $0x0  }
0x42: {  	s1 =	sadd.s32 s4, s9;
	[sflag:s23] =	ssyncadd.s32 $0xFFFFC000  }
0x43: {  	[hbm4b:s1+s3] =	stream.linear.scatter [tilespmem:s19], [sflag:$0x5], $0x4000, $0x38;
	[tilespmem:$0x11900] =	vst v63  }
0x44: {  	_ =	swait.ge [sflag:s24], $0x4000  }
0x45: {  	[sflag:s24] =	ssyncset.done $0x0  }
0x46: {  	s11 =	simm.s32 $0x380;
	[sflag:s24] =	ssyncadd.s32 $0xFFFFC000  }
0x47: {  	[tilespmem:s25], [sflag:$0x4] =	stream.indirect.gather [hbm4b:s2+s18], $0x80, s11, s18, $0xb8;
	[tilespmem:$0x11900] =	vst v63  }
0x48: {  	_ =	swait.ge [sflag:s26], $0x4000  }
0x49: {  	[sflag:s26] =	ssyncset.done $0x0  }
0x4a: {  	[sflag:s26] =	ssyncadd.s32 $0xFFFFC000  }
0x4b: {  	[hbm4b:s13+s3] =	stream.linear.scatter [tilespmem:s20], [sflag:$0x6], $0x4000, $0x38;
	[tilespmem:$0x11900] =	vst v63  }
0x4c: {  	_ =	swait.ge [sflag:s28], $0x4000  }
0x4d: {  	[sflag:s28] =	ssyncset.done $0x0  }
0x4e: {  	s12 =	simm.s32 $0x400;
	[sflag:s28] =	ssyncadd.s32 $0xFFFFC000  }
0x4f: {  	[tilespmem:s19], [sflag:$0x1] =	stream.indirect.gather [hbm4b:s2+s18], $0x80, s12, s18, $0xb8;
	[tilespmem:$0x11900] =	vst v63  }
0x50: {  	_ =	swait.ge [sflag:s30], $0x4000  }
0x51: {  	[sflag:s30] =	ssyncset.done $0x0  }
0x52: {  	[sflag:s30] =	ssyncadd.s32 $0xFFFFC000  }
0x53: {  	[hbm4b:s16+s3] =	stream.linear.scatter [tilespmem:s22], [sflag:$0x7], $0x4000, $0x38;
	[tilespmem:$0x11900] =	vst v63  }
0x54: {  	_ =	swait.ge [sflag:s31], $0x4000  }
0x55: {  	[sflag:s31] =	ssyncset.done $0x0  }
0x56: {  	s15 =	simm.s32 $0x480;
	[sflag:s31] =	ssyncadd.s32 $0xFFFFC000  }
0x57: {  	[tilespmem:s20], [sflag:$0x2] =	stream.indirect.gather [hbm4b:s2+s18], $0x80, s15, s18, $0xb8;
	[tilespmem:$0x11900] =	vst v63  }
0x58: {  	s9 =	sadd.s32 $0x10000, s14;
	s5 =	sadd.s32 $0x2000, s10;
	_ =	swait.ge [sflag:s0], $0x4000  }
0x59: {  	s7 =	sadd.s32 $0x2000, s16;
	s8 =	sadd.s32 $0x2000, s13;
	[sflag:s0] =	ssyncset.done $0x0  }
0x5a: {  	s1 =	simm.s32 $0x800;
	s15 =	smov.u32 s10;
	[sflag:s0] =	ssyncadd.s32 $0xFFFFC000  }
.LBB2_2:
0x5b: {  	[hbm4b:s15+s3] =	stream.linear.scatter [tilespmem:s25], [sflag:$0x8], $0x4000, $0x38;
	[tilespmem:$0x11900] =	vst v63  }
0x5c: {  	s11 =	smov.u32 s1;
	s15 =	smov.u32 s5  }
0x5d: {  	p0 =	sne.s32 s1, $0x5000;
	s1 =	sadd.s32 $0x800, s1;
	_ =	swait.ge [sflag:s21], $0x4000  }
0x5e: {  	s11 =	sshra.s32 s11, $0x2;
	[sflag:s21] =	ssyncset.done $0x0  }
0x5f: {  	s12 =	sadd.s32 $0x300, s11;
	[sflag:s21] =	ssyncadd.s32 $0xFFFFC000  }
0x60: {  	[tilespmem:s22], [sflag:$0x3] =	stream.indirect.gather [hbm4b:s2+s18], $0x80, s12, s18, $0xb8;
	[tilespmem:$0x11900] =	vst v63  }
0x61: {  	_ =	swait.ge [sflag:s23], $0x4000  }
0x62: {  	s12 =	sshrl.u32 s9, $0x3;
	[sflag:s23] =	ssyncset.done $0x0  }
0x63: {  	s12 =	sadd.s32 s4, s12;
	[sflag:s23] =	ssyncadd.s32 $0xFFFFC000  }
0x64: {  	[hbm4b:s12+s3] =	stream.linear.scatter [tilespmem:s19], [sflag:$0x5], $0x4000, $0x38;
	[tilespmem:$0x11900] =	vst v63  }
0x65: {  	_ =	swait.ge [sflag:s24], $0x4000  }
0x66: {  	[sflag:s24] =	ssyncset.done $0x0  }
0x67: {  	s12 =	sadd.s32 $0x380, s11;
	[sflag:s24] =	ssyncadd.s32 $0xFFFFC000  }
0x68: {  	[tilespmem:s25], [sflag:$0x4] =	stream.indirect.gather [hbm4b:s2+s18], $0x80, s12, s18, $0xb8;
	[tilespmem:$0x11900] =	vst v63  }
0x69: {  	_ =	swait.ge [sflag:s26], $0x4000  }
0x6a: {  	[sflag:s26] =	ssyncset.done $0x0  }
0x6b: {  	[sflag:s26] =	ssyncadd.s32 $0xFFFFC000  }
0x6c: {  	[hbm4b:s8+s3] =	stream.linear.scatter [tilespmem:s20], [sflag:$0x6], $0x4000, $0x38;
	[tilespmem:$0x11900] =	vst v63  }
0x6d: {  	_ =	swait.ge [sflag:s28], $0x4000  }
0x6e: {  	[sflag:s28] =	ssyncset.done $0x0  }
0x6f: {  	s12 =	sadd.s32 $0x400, s11;
	[sflag:s28] =	ssyncadd.s32 $0xFFFFC000  }
0x70: {  	[tilespmem:s19], [sflag:$0x1] =	stream.indirect.gather [hbm4b:s2+s18], $0x80, s12, s18, $0xb8;
	[tilespmem:$0x11900] =	vst v63  }
0x71: {  	_ =	swait.ge [sflag:s30], $0x4000  }
0x72: {  	[sflag:s30] =	ssyncset.done $0x0  }
0x73: {  	[sflag:s30] =	ssyncadd.s32 $0xFFFFC000  }
0x74: {  	[hbm4b:s7+s3] =	stream.linear.scatter [tilespmem:s22], [sflag:$0x7], $0x4000, $0x38;
	[tilespmem:$0x11900] =	vst v63  }
0x75: {  	_ =	swait.ge [sflag:s31], $0x4000  }
0x76: {  	[sflag:s31] =	ssyncset.done $0x0  }
.Ltmp0:
0x77: {  	s11 =	sadd.s32 $0x480, s11;
	[sflag:s31] =	ssyncadd.s32 $0xFFFFC000;
	(pc) =	sbr.rel @p0 .LBB2_2-.Ltmp0, $4  }
0x78: {  	[tilespmem:s20], [sflag:$0x2] =	stream.indirect.gather [hbm4b:s2+s18], $0x80, s11, s18, $0xb8;
	[tilespmem:$0x11900] =	vst v63  }
0x79: {  	_ =	swait.ge [sflag:s0], $0x4000  }
0x7a: {  	s5 =	sadd.s32 $0x2000, s5;
	s7 =	sadd.s32 $0x2000, s7;
	[sflag:s0] =	ssyncset.done $0x0  }
0x7b: {  	s9 =	sadd.s32 $0x10000, s9;
	s8 =	sadd.s32 $0x2000, s8;
	[sflag:s0] =	ssyncadd.s32 $0xFFFFC000  }
0x7c: {  	[hbm4b:s15+s3] =	stream.linear.scatter [tilespmem:s25], [sflag:$0x8], $0x4000, $0x38;
	[tilespmem:$0x11900] =	vst v63  }
0x7d: {  	_ =	swait.ge [sflag:s21], $0x4000  }
0x7e: {  	[sflag:s21] =	ssyncset.done $0x0  }
0x7f: {  	[sflag:s21] =	ssyncadd.s32 $0xFFFFC000  }
0x80: {  	_ =	swait.ge [sflag:s23], $0x4000  }
0x81: {  	[sflag:s23] =	ssyncset.done $0x0  }
0x82: {  	s1 =	rddreg [dreg:$0x5];
	[sflag:s23] =	ssyncadd.s32 $0xFFFFC000  }
0x83: {  	[hbm4b:s1+s3] =	stream.linear.scatter [tilespmem:s19], [sflag:$0x5], $0x4000, $0x38;
	[tilespmem:$0x11900] =	vst v63  }
0x84: {  	_ =	swait.ge [sflag:s24], $0x4000  }
0x85: {  	[sflag:s24] =	ssyncset.done $0x0  }
0x86: {  	[sflag:s24] =	ssyncadd.s32 $0xFFFFC000  }
0x87: {  	_ =	swait.ge [sflag:s26], $0x4000  }
0x88: {  	[sflag:s26] =	ssyncset.done $0x0  }
0x89: {  	s12 =	rddreg [dreg:$0x6];
	[sflag:s26] =	ssyncadd.s32 $0xFFFFC000  }
0x8a: {  	[hbm4b:s12+s3] =	stream.linear.scatter [tilespmem:s20], [sflag:$0x6], $0x4000, $0x38;
	[tilespmem:$0x11900] =	vst v63  }
0x8b: {  	_ =	swait.ge [sflag:s28], $0x4000  }
0x8c: {  	[sflag:s28] =	ssyncset.done $0x0  }
0x8d: {  	[sflag:s28] =	ssyncadd.s32 $0xFFFFC000  }
0x8e: {  	_ =	swait.ge [sflag:s31], $0x4000  }
0x8f: {  	s29 =	sadd.s32 $0x1, s29;
	s15 =	rddreg [dreg:$0x7]  }
0x90: {  	p0 =	sne.s32 s29, s15  }
.Ltmp1:
0x91: {  	_ = 	snop;
	(pc) =	sbr.rel @p0 .LBB2_1-.Ltmp1, $3  }
0x92: {  	_ =	sdelay $0x1  }
0x93: {  	[sflag:s31] =	ssyncset.done $0x0  }
0x94: {  	[sflag:s31] =	ssyncadd.s32 $0xFFFFC000  }
0x95: {  	_ =	sfence.sel $0x180000  }
0x96: {  	[bflag:$0x0] =	sbarrier.arrive $0xFFFF  }
0x97: {  	_ =	strace $0x90000047  }
0x98: {  	s0 =	stileid.u32;
	[bflag:$0x2] =	sbarrier.arrive $0xFFFF  }
0x99: {  	p0 =	sne.s32 s0, $0x0;
	s0 =	rddreg [dreg:$0x3]  }
0x9a: {  	s0 =	sadd.s32 @!p0 $0x100000, s0  }
0x9b: {  	[sflag:s0] =	ssyncadd.tile.s32 @!p0 $0x1;
	_ =	shalt  }
.Lfunc_end2:
_tile_overlayer_lowered:
.L_overlay_start_2:
0x9c: {  	(tag) =	ssettag $0x2  }
0x9d: {  	s0 =	rddreg [dreg:$0x0];
	s2 =	stileid.u32  }
0x9e: {  	s1 =	rddreg [dreg:$0x1];
	p0 =	sne.s32 s2, $0x0  }
0x9f: {  	s3 =	rddreg [dreg:$0x2];
	[bflag:$0x3] =	sbarrier.arrive $0xFFFF;
	s2 =	simm.s32 @!p0 $0x1C09  }
0xa0: {  	[timem:s3], [sflag:s2] =	dma.local @!p0 [hbm:s0], s1  }
0xa1: {  	s0 =	simm.s32 @!p0 $0x9  }
0xa2: {  	_ =	swait.ge @!p0 [sflag:s0], s1  }
0xa3: {  	s1 =	ssub.s32 @!p0 $0x0, s1;
	[sflag:s0] =	ssyncset.done @!p0 $0x0  }
0xa4: {  	[sflag:s0] =	ssyncadd.s32 @!p0 s1  }
0xa5: {  	[bflag:$0x3] =	sbarrier.arrive $0xFFFF  }
0xa6: {  	_ =	shalt  }

</sc_bundles>
